<compile_context>
chip_gen: v7x
topology: tpu7x:2x2x1
jax: 0.10.2.dev20260603
libtpu: 0.0.44.dev20260713+nightly
codegen_flags: <defaults>
</compile_context>

<pallas_src>
import functools

import jax
import jax.numpy as jnp
from jax import lax
from jax.experimental import pallas as pl
from jax.experimental.pallas import tpu as pltpu
from jax.experimental.pallas import tpu_sc as plsc

D_MODEL = 768
BATCH = 4
SEQ = 2048
NC, NS = 2, 16
NW = NC * NS
WPB = NW // BATCH
BPW = SEQ // WPB
CH = 128
NCHUNK = BPW // CH

_mesh = plsc.VectorSubcoreMesh(core_axis_name="c", subcore_axis_name="s")


@functools.partial(
    pl.kernel,
    out_type=jax.ShapeDtypeStruct((BATCH, SEQ, D_MODEL), jnp.float32),
    mesh=_mesh,
    scratch_types=[
        pltpu.VMEM((BPW,), jnp.int32),
        pltpu.VMEM((CH, D_MODEL), jnp.float32),
        pltpu.SemaphoreType.DMA,
        pltpu.SemaphoreType.DMA,
    ],
)
def _embed_gather(ids_hbm, table_hbm, out_hbm, idx_v, rows_v, gsem, ssem):
    wid = lax.axis_index("s") * NC + lax.axis_index("c")
    b = wid // WPB
    col0 = (wid % WPB) * BPW
    pltpu.sync_copy(ids_hbm.at[b, pl.ds(col0, BPW)], idx_v)
    scatter = None
    for c in range(NCHUNK):
        if scatter is not None:
            scatter.wait()
        pltpu.async_copy(
            table_hbm.at[idx_v.at[pl.ds(c * CH, CH)]], rows_v, gsem).wait()
        scatter = pltpu.async_copy(
            rows_v, out_hbm.at[b, pl.ds(col0 + c * CH, CH)], ssem)
    scatter.wait()


def kernel(input_ids, embed_tokens_weight):
    return _embed_gather(input_ids.astype(jnp.int32), embed_tokens_weight)

# --- scband reference (transcript-rebuilt; emitter-appended) ---
"""Pipeline reference for scband-optlmmodel-client-2104533975474 (READ-ONLY COPY).

The authoritative reference and input builder live on the scoring server;
editing this copy changes nothing except your own understanding.
"""

import jax, jax.numpy as jnp
import numpy as np

VOCAB = 100000
D_MODEL = 768
BATCH = 4
SEQ = 2048

def setup_inputs(seed: int = 0) -> dict:
    key = jax.random.key(seed)
    k1, k2 = jax.random.split(key)
    input_ids = jax.random.randint(k1, (BATCH, SEQ), 0, VOCAB, dtype=jnp.int64 if jax.config.jax_enable_x64 else jnp.int32)
    embed_tokens_weight = jax.random.normal(k2, (VOCAB, D_MODEL), dtype=jnp.float32) * 0.02
    return {"input_ids": input_ids, "embed_tokens_weight": embed_tokens_weight}

def reference(input_ids, embed_tokens_weight):
    # hidden_states = self.embed_tokens(input_ids)
    hidden_states = jnp.take(embed_tokens_weight, input_ids, axis=0)
    # presents = None (omitted from returned arrays)
    return hidden_states

if __name__ == "__main__":
    import jax
    _d = setup_inputs()
    print(jax.jit(kernel)(*tuple(_d.values())))

</pallas_src>

<mosaic_0001>
#map = affine_map<(d0, d1) -> (0, 0)>
#map1 = affine_map<(d0, d1) -> (0, 0, 0)>
module attributes {stable_mosaic.version = 14 : i64} {
  func.func @_embed_gather(%arg0: i32, %arg1: i32, %arg2: memref<4x2048xi32, #tpu.memory_space<hbm>>, %arg3: memref<100000x768xf32, #tpu.memory_space<hbm>>, %arg4: memref<4x2048x768xf32, #tpu.memory_space<hbm>>, %arg5: memref<256xi32, #tpu.memory_space<vmem>>, %arg6: memref<128x768xf32, #tpu.memory_space<vmem>>, %arg7: memref<!tpu.dma_semaphore, #tpu.memory_space<semaphore_mem>>, %arg8: memref<!tpu.dma_semaphore, #tpu.memory_space<semaphore_mem>>) attributes {dimension_semantics = [#tpu.dimension_semantics<core_parallel>, #tpu.dimension_semantics<subcore_parallel>], iteration_bounds = array<i64: 2, 16>, scalar_prefetch = 0 : i64, scratch_operands = 4 : i64, tpu.core_type = #tpu.core_type<sc_vector_subcore>, window_params = [{transform_indices = #map}, {transform_indices = #map}, {transform_indices = #map1}]} {
    %mul3A = arith.constant 2 : i32
    %mul3A_0 = arith.muli %arg1, %mul3A : i32
    %add3A = arith.addi %mul3A_0, %arg0 : i32
    %jit3A = arith.constant 8 : i32
    %div3A = arith.divsi %add3A, %jit3A : i32
    %sign3A = arith.constant 0 : i32
    %sign3A_1 = arith.cmpi sgt, %add3A, %sign3A : i32
    %sign3A_2 = arith.extui %sign3A_1 : i1 to i32
    %sign3A_3 = arith.constant 0 : i32
    %sign3A_4 = arith.cmpi slt, %add3A, %sign3A_3 : i32
    %sign3A_5 = arith.extui %sign3A_4 : i1 to i32
    %sign3A_6 = arith.subi %sign3A_2, %sign3A_5 : i32
    %sign3A_7 = arith.constant 0 : i32
    %sign3A_8 = arith.cmpi sgt, %jit3A, %sign3A_7 : i32
    %sign3A_9 = arith.extui %sign3A_8 : i1 to i32
    %sign3A_10 = arith.constant 0 : i32
    %sign3A_11 = arith.cmpi slt, %jit3A, %sign3A_10 : i32
    %sign3A_12 = arith.extui %sign3A_11 : i1 to i32
    %sign3A_13 = arith.subi %sign3A_9, %sign3A_12 : i32
    %ne3A = arith.cmpi ne, %sign3A_6, %sign3A_13 : i32
    %rem3A = arith.remsi %add3A, %jit3A : i32
    %ne3A_14 = arith.constant 0 : i32
    %ne3A_15 = arith.cmpi ne, %rem3A, %ne3A_14 : i32
    %and3A = arith.andi %ne3A, %ne3A_15 : i1
    %sub3A = arith.constant 1 : i32
    %sub3A_16 = arith.subi %div3A, %sub3A : i32
    %select_n3A = arith.select %and3A, %sub3A_16, %div3A : i32
    %jit3A_17 = arith.constant 8 : i32
    %eq3A = arith.constant 0 : i32
    %eq3A_18 = arith.cmpi eq, %jit3A_17, %eq3A : i32
    %jit3A_19 = arith.constant 1 : i32
    %select_n3A_20 = arith.select %eq3A_18, %jit3A_19, %jit3A_17 : i32
    %rem3A_21 = arith.remsi %add3A, %select_n3A_20 : i32
    %ne3A_22 = arith.constant 0 : i32
    %ne3A_23 = arith.cmpi ne, %rem3A_21, %ne3A_22 : i32
    %lt3A = arith.constant 0 : i32
    %lt3A_24 = arith.cmpi slt, %rem3A_21, %lt3A : i32
    %lt3A_25 = arith.constant 0 : i32
    %lt3A_26 = arith.cmpi slt, %select_n3A_20, %lt3A_25 : i32
    %ne3A_27 = arith.xori %lt3A_24, %lt3A_26 : i1
    %and3A_28 = arith.andi %ne3A_27, %ne3A_23 : i1
    %add3A_29 = arith.addi %rem3A_21, %select_n3A_20 : i32
    %select_n3A_30 = arith.select %and3A_28, %add3A_29, %rem3A_21 : i32
    %mul3A_31 = arith.constant 256 : i32
    %mul3A_32 = arith.muli %select_n3A_30, %mul3A_31 : i32
    "tpu.region"() ({
      %run_scoped3A = tpu.sem_alloc : memref<!tpu.dma_semaphore, #tpu.memory_space<semaphore_mem>>
      %dma_start3A_79 = tpu.memref_slice %arg2[%select_n3A, %mul3A_32] : memref<4x2048xi32, #tpu.memory_space<hbm>> -> memref<1x256xi32, #tpu.memory_space<hbm>>
      %dma_start3A_80 = tpu.memref_squeeze %dma_start3A_79 : memref<1x256xi32, #tpu.memory_space<hbm>> -> memref<256xi32, #tpu.memory_space<hbm>>
      %dma_start3A_81 = tpu.memref_slice %arg2[%select_n3A, %mul3A_32] : memref<4x2048xi32, #tpu.memory_space<hbm>> -> memref<1x256xi32, #tpu.memory_space<hbm>>
      %dma_start3A_82 = tpu.memref_squeeze %dma_start3A_81 : memref<1x256xi32, #tpu.memory_space<hbm>> -> memref<256xi32, #tpu.memory_space<hbm>>
      tpu.enqueue_dma source(%dma_start3A_82 : memref<256xi32, #tpu.memory_space<hbm>>) target(%arg5 : memref<256xi32, #tpu.memory_space<vmem>>) target_semaphore(%run_scoped3A : memref<!tpu.dma_semaphore, #tpu.memory_space<semaphore_mem>>)
      %dma_wait3A_83 = tpu.memref_slice %arg2[%select_n3A, %mul3A_32] : memref<4x2048xi32, #tpu.memory_space<hbm>> -> memref<1x256xi32, #tpu.memory_space<hbm>>
      %dma_wait3A_84 = tpu.memref_squeeze %dma_wait3A_83 : memref<1x256xi32, #tpu.memory_space<hbm>> -> memref<256xi32, #tpu.memory_space<hbm>>
      %dma_wait3A_85 = tpu.memref_slice %arg2[%select_n3A, %mul3A_32] : memref<4x2048xi32, #tpu.memory_space<hbm>> -> memref<1x256xi32, #tpu.memory_space<hbm>>
      %dma_wait3A_86 = tpu.memref_squeeze %dma_wait3A_85 : memref<1x256xi32, #tpu.memory_space<hbm>> -> memref<256xi32, #tpu.memory_space<hbm>>
      tpu.wait_dma2 semaphore(%run_scoped3A : memref<!tpu.dma_semaphore, #tpu.memory_space<semaphore_mem>>) src(%dma_wait3A_86 : memref<256xi32, #tpu.memory_space<hbm>>) dst(%arg5 : memref<256xi32, #tpu.memory_space<vmem>>)
      tpu.yield
    }) : () -> ()
    %dma_start3A = arith.constant 0 : i32
    %dma_start3A_33 = tpu.memref_slice %arg5[%dma_start3A] : memref<256xi32, #tpu.memory_space<vmem>> -> memref<128xi32, #tpu.memory_space<vmem>>
    %dma_start3A_34 = arith.constant 0 : i32
    %dma_start3A_35 = arith.constant 0 : i32
    %dma_start3A_36 = tpu.memref_slice %arg3[%dma_start3A_34, %dma_start3A_35] : memref<100000x768xf32, #tpu.memory_space<hbm>> -> memref<100000x768xf32, #tpu.memory_space<hbm>>
    tpu.enqueue_indirect_dma source(%dma_start3A_36 : memref<100000x768xf32, #tpu.memory_space<hbm>>) target(%arg6 : memref<128x768xf32, #tpu.memory_space<vmem>>) offsets(%dma_start3A_33 : memref<128xi32, #tpu.memory_space<vmem>>) semaphore(%arg7 : memref<!tpu.dma_semaphore, #tpu.memory_space<semaphore_mem>>)
    %dma_wait3A = arith.constant 0 : i32
    %dma_wait3A_37 = tpu.memref_slice %arg5[%dma_wait3A] : memref<256xi32, #tpu.memory_space<vmem>> -> memref<128xi32, #tpu.memory_space<vmem>>
    %dma_wait3A_38 = arith.constant 0 : i32
    %dma_wait3A_39 = arith.constant 0 : i32
    %dma_wait3A_40 = tpu.memref_slice %arg3[%dma_wait3A_38, %dma_wait3A_39] : memref<100000x768xf32, #tpu.memory_space<hbm>> -> memref<100000x768xf32, #tpu.memory_space<hbm>>
    tpu.wait_indirect_dma semaphore(%arg7 : memref<!tpu.dma_semaphore, #tpu.memory_space<semaphore_mem>>) src(%dma_wait3A_40 : memref<100000x768xf32, #tpu.memory_space<hbm>>) dst(%arg6 : memref<128x768xf32, #tpu.memory_space<vmem>>)
    %add3A_41 = arith.constant 0 : i32
    %add3A_42 = arith.addi %mul3A_32, %add3A_41 : i32
    %dma_start3A_43 = arith.constant 0 : i32
    %dma_start3A_44 = tpu.memref_slice %arg4[%select_n3A, %add3A_42, %dma_start3A_43] : memref<4x2048x768xf32, #tpu.memory_space<hbm>> -> memref<1x128x768xf32, #tpu.memory_space<hbm>>
    %dma_start3A_45 = tpu.memref_squeeze %dma_start3A_44 : memref<1x128x768xf32, #tpu.memory_space<hbm>> -> memref<128x768xf32, #tpu.memory_space<hbm>>
    %dma_start3A_46 = arith.constant 0 : i32
    %dma_start3A_47 = tpu.memref_slice %arg4[%select_n3A, %add3A_42, %dma_start3A_46] : memref<4x2048x768xf32, #tpu.memory_space<hbm>> -> memref<1x128x768xf32, #tpu.memory_space<hbm>>
    %dma_start3A_48 = tpu.memref_squeeze %dma_start3A_47 : memref<1x128x768xf32, #tpu.memory_space<hbm>> -> memref<128x768xf32, #tpu.memory_space<hbm>>
    tpu.enqueue_dma source(%arg6 : memref<128x768xf32, #tpu.memory_space<vmem>>) target(%dma_start3A_48 : memref<128x768xf32, #tpu.memory_space<hbm>>) target_semaphore(%arg8 : memref<!tpu.dma_semaphore, #tpu.memory_space<semaphore_mem>>)
    %dma_wait3A_49 = arith.constant 0 : i32
    %dma_wait3A_50 = tpu.memref_slice %arg4[%select_n3A, %add3A_42, %dma_wait3A_49] : memref<4x2048x768xf32, #tpu.memory_space<hbm>> -> memref<1x128x768xf32, #tpu.memory_space<hbm>>
    %dma_wait3A_51 = tpu.memref_squeeze %dma_wait3A_50 : memref<1x128x768xf32, #tpu.memory_space<hbm>> -> memref<128x768xf32, #tpu.memory_space<hbm>>
    %dma_wait3A_52 = arith.constant 0 : i32
    %dma_wait3A_53 = tpu.memref_slice %arg4[%select_n3A, %add3A_42, %dma_wait3A_52] : memref<4x2048x768xf32, #tpu.memory_space<hbm>> -> memref<1x128x768xf32, #tpu.memory_space<hbm>>
    %dma_wait3A_54 = tpu.memref_squeeze %dma_wait3A_53 : memref<1x128x768xf32, #tpu.memory_space<hbm>> -> memref<128x768xf32, #tpu.memory_space<hbm>>
    tpu.wait_dma2 semaphore(%arg8 : memref<!tpu.dma_semaphore, #tpu.memory_space<semaphore_mem>>) src(%arg6 : memref<128x768xf32, #tpu.memory_space<vmem>>) dst(%dma_wait3A_54 : memref<128x768xf32, #tpu.memory_space<hbm>>)
    %dma_start3A_55 = arith.constant 128 : i32
    %dma_start3A_56 = tpu.memref_slice %arg5[%dma_start3A_55] : memref<256xi32, #tpu.memory_space<vmem>> -> memref<128xi32, #tpu.memory_space<vmem>>
    %dma_start3A_57 = arith.constant 0 : i32
    %dma_start3A_58 = arith.constant 0 : i32
    %dma_start3A_59 = tpu.memref_slice %arg3[%dma_start3A_57, %dma_start3A_58] : memref<100000x768xf32, #tpu.memory_space<hbm>> -> memref<100000x768xf32, #tpu.memory_space<hbm>>
    tpu.enqueue_indirect_dma source(%dma_start3A_59 : memref<100000x768xf32, #tpu.memory_space<hbm>>) target(%arg6 : memref<128x768xf32, #tpu.memory_space<vmem>>) offsets(%dma_start3A_56 : memref<128xi32, #tpu.memory_space<vmem>>) semaphore(%arg7 : memref<!tpu.dma_semaphore, #tpu.memory_space<semaphore_mem>>)
    %dma_wait3A_60 = arith.constant 128 : i32
    %dma_wait3A_61 = tpu.memref_slice %arg5[%dma_wait3A_60] : memref<256xi32, #tpu.memory_space<vmem>> -> memref<128xi32, #tpu.memory_space<vmem>>
    %dma_wait3A_62 = arith.constant 0 : i32
    %dma_wait3A_63 = arith.constant 0 : i32
    %dma_wait3A_64 = tpu.memref_slice %arg3[%dma_wait3A_62, %dma_wait3A_63] : memref<100000x768xf32, #tpu.memory_space<hbm>> -> memref<100000x768xf32, #tpu.memory_space<hbm>>
    tpu.wait_indirect_dma semaphore(%arg7 : memref<!tpu.dma_semaphore, #tpu.memory_space<semaphore_mem>>) src(%dma_wait3A_64 : memref<100000x768xf32, #tpu.memory_space<hbm>>) dst(%arg6 : memref<128x768xf32, #tpu.memory_space<vmem>>)
    %add3A_65 = arith.constant 128 : i32
    %add3A_66 = arith.addi %mul3A_32, %add3A_65 : i32
    %dma_start3A_67 = arith.constant 0 : i32
    %dma_start3A_68 = tpu.memref_slice %arg4[%select_n3A, %add3A_66, %dma_start3A_67] : memref<4x2048x768xf32, #tpu.memory_space<hbm>> -> memref<1x128x768xf32, #tpu.memory_space<hbm>>
    %dma_start3A_69 = tpu.memref_squeeze %dma_start3A_68 : memref<1x128x768xf32, #tpu.memory_space<hbm>> -> memref<128x768xf32, #tpu.memory_space<hbm>>
    %dma_start3A_70 = arith.constant 0 : i32
    %dma_start3A_71 = tpu.memref_slice %arg4[%select_n3A, %add3A_66, %dma_start3A_70] : memref<4x2048x768xf32, #tpu.memory_space<hbm>> -> memref<1x128x768xf32, #tpu.memory_space<hbm>>
    %dma_start3A_72 = tpu.memref_squeeze %dma_start3A_71 : memref<1x128x768xf32, #tpu.memory_space<hbm>> -> memref<128x768xf32, #tpu.memory_space<hbm>>
    tpu.enqueue_dma source(%arg6 : memref<128x768xf32, #tpu.memory_space<vmem>>) target(%dma_start3A_72 : memref<128x768xf32, #tpu.memory_space<hbm>>) target_semaphore(%arg8 : memref<!tpu.dma_semaphore, #tpu.memory_space<semaphore_mem>>)
    %dma_wait3A_73 = arith.constant 0 : i32
    %dma_wait3A_74 = tpu.memref_slice %arg4[%select_n3A, %add3A_66, %dma_wait3A_73] : memref<4x2048x768xf32, #tpu.memory_space<hbm>> -> memref<1x128x768xf32, #tpu.memory_space<hbm>>
    %dma_wait3A_75 = tpu.memref_squeeze %dma_wait3A_74 : memref<1x128x768xf32, #tpu.memory_space<hbm>> -> memref<128x768xf32, #tpu.memory_space<hbm>>
    %dma_wait3A_76 = arith.constant 0 : i32
    %dma_wait3A_77 = tpu.memref_slice %arg4[%select_n3A, %add3A_66, %dma_wait3A_76] : memref<4x2048x768xf32, #tpu.memory_space<hbm>> -> memref<1x128x768xf32, #tpu.memory_space<hbm>>
    %dma_wait3A_78 = tpu.memref_squeeze %dma_wait3A_77 : memref<1x128x768xf32, #tpu.memory_space<hbm>> -> memref<128x768xf32, #tpu.memory_space<hbm>>
    tpu.wait_dma2 semaphore(%arg8 : memref<!tpu.dma_semaphore, #tpu.memory_space<semaphore_mem>>) src(%arg6 : memref<128x768xf32, #tpu.memory_space<vmem>>) dst(%dma_wait3A_78 : memref<128x768xf32, #tpu.memory_space<hbm>>)
    return
  }
}

</mosaic_0001>

<sc_bundles>
// kernel: kernel.3.cloned.1.call-start
scs
__scs_entry_jumppad:
0x0: {  	(pc) =	sbr.rel $0x88, $3  }
0x1: {  	(tag) =	ssettag $0x0;
	lr =	simm.s32 $0x1  }
0x2: {  	[smem:$0x3F9F] =	sst lr;
	_ =	strace $0xD0000000  }
0x3: {  	_ = 	snop  }
0x4: {  	_ = 	snop  }
0x5: {  	_ = 	snop  }
0x6: {  	_ = 	snop  }
0x7: {  	_ = 	snop  }
__scs_overlays_trampoline_lowered:
0x8: {  	[smem:$0x3FAE] =	sst s0  }
0x9: {  	[smem:$0x3FAF] =	sst s1  }
0xa: {  	[smem:$0x3FB0] =	sst s2  }
0xb: {  	[smem:$0x3FB1] =	sst s3  }
0xc: {  	[smem:$0x3FB2] =	sst s4  }
0xd: {  	[smem:$0x3FB3] =	sst s5  }
0xe: {  	[smem:$0x3FB4] =	sst s6  }
0xf: {  	[smem:$0x3FB5] =	sst s7  }
0x10: {  	[smem:$0x3FB6] =	sst s8  }
0x11: {  	[smem:$0x3FB7] =	sst s9;
	s0 =	simm.s32 @!p0 $0x0  }
0x12: {  	s1 =	sld [smem:$0x3F9D];
	s0 =	simm.s32 @p0 $0x1  }
0x13: {  	[smem:$0x3FB8] =	sst s0;
	s0 =	simm.s32 @!p1 $0x0  }
0x14: {  	s2 =	sld [smem:$0x3F9C];
	s0 =	simm.s32 @p1 $0x1  }
0x15: {  	[smem:$0x3FB9] =	sst s0;
	s0 =	simm.s32 @!p2 $0x0  }
0x16: {  	s3 =	sld [smem:$0x3FDB];
	s0 =	simm.s32 @p2 $0x1  }
0x17: {  	s4 =	simm.s32 $0x1BF5;
	[smem:$0x3FBB] =	sst s0  }
0x18: {  	s0 =	sld [smem:$0x3F9E];
	_ =	swait.ge [sflag:s4], $0x0  }
0x19: {  	s7 =	sld [smem:$0x3F9F]  }
0x1a: {  	s8 =	sadd.s32 $0xFFFFE003, lr  }
0x1b: {  	s9 =	sadd.s32 $0xFFFFFEF7, lr;
	s5 =	simm.s32 $0xFFFFFFFF;
	p2 =	slt.u32 s8, $0xFFFFF086  }
0x1c: {  	p1 =	slt.u32 s9, $0xF7A;
	s5 =	simm.s32 @!p2 $0x0  }
0x1d: {  	s5 =	simm.s32 @p1 $0x1;
	p0 =	seq.s32 s7, s2  }
0x1e: {  	s7 =	smul.u32 @!p0 $0xF7A, s2;
	p2 =	seq.s32 @!p0 s5, $0x0  }
0x1f: {  	s9 =	smul.u32 $0xF7A, s1;
	s8 =	simm.s32 @!p0 $0x1BF5;
	p2 =	por !p2, p0  }
0x20: {  	[sflag:s8] =	ssyncset.s32 @!p0 $0xFFFFF086;
	s6 =	sadd.s32 @!p0 s3, s7;
	s7 =	simm.s32 @!p0 $0x108  }
0x21: {  	s3 =	sadd.s32 s3, s9;
	s6 =	sadd.s32 @!p0 $0x88, s6;
	s7 =	simm.s32 @p2 $0x1082  }
0x22: {  	[simem:s7], [sflag:s8] =	dma.local @!p0 [hbm:s6], $0xF7A  }
0x23: {  	s9 =	sor.u32 $0xD0000000, s2;
	s6 =	simm.s32 $0x108;
	_ =	swait.ge @!p0 [sflag:s8], $0x0  }
0x24: {  	s3 =	sadd.s32 $0x88, s3;
	s6 =	simm.s32 @!p1 $0x1082;
	[sflag:s4] =	ssyncset.s32 $0xFFFFF086  }
0x25: {  	[simem:s6], [sflag:s4] =	dma.local [hbm:s3], $0xF7A  }
0x26: {  	[smem:$0x3F9F] =	sst s1;
	(tag) =	ssettag s2;
	_ =	strace s9  }
0x27: {  	s1 =	sld [smem:$0x3FAF]  }
0x28: {  	s2 =	sld [smem:$0x3FB0]  }
0x29: {  	s4 =	sld [smem:$0x3FB2]  }
0x2a: {  	p0 =	seq.s32 s5, $0x0;
	s5 =	sld [smem:$0x3FB3]  }
0x2b: {  	s6 =	sld [smem:$0x3FB4]  }
0x2c: {  	s7 =	sld [smem:$0x3FB5]  }
0x2d: {  	s3 =	simm.s32 $0x108;
	s8 =	sld [smem:$0x3FB6]  }
0x2e: {  	s3 =	simm.s32 @!p0 $0x1082;
	s9 =	sld [smem:$0x3FB7]  }
0x2f: {  	lr =	sadd.s32 s0, s3;
	s0 =	sld [smem:$0x3FAE]  }
0x30: {  	s3 =	sld [smem:$0x3FB1]  }
0x31: {  	[smem:$0x3FBA] =	sst s10  }
0x32: {  	s10 =	sld [smem:$0x3FB8];
	_ =	sdelay $0x3  }
0x33: {  	p0 =	seq.s32 s10, $0x1;
	s10 =	sld [smem:$0x3FBA];
	_ =	sdelay $0x3  }
0x34: {  	[smem:$0x3FBA] =	sst s10  }
0x35: {  	s10 =	sld [smem:$0x3FB9];
	_ =	sdelay $0x3  }
0x36: {  	p1 =	seq.s32 s10, $0x1;
	s10 =	sld [smem:$0x3FBA];
	_ =	sdelay $0x3  }
0x37: {  	[smem:$0x3FBA] =	sst s10  }
0x38: {  	s10 =	sld [smem:$0x3FBB]  }
0x39: {  	_ = 	snop;
	(pc) =	sbr.ind lr, $3  }
0x3a: {  	_ = 	snop  }
0x3b: {  	_ = 	snop  }
0x3c: {  	p2 =	seq.s32 s10, $0x1;
	s10 =	sld [smem:$0x3FBA]  }
0x3d: {  	_ =	shalt  }
0x3e: {  	_ =	shalt  }
0x3f: {  	_ =	shalt  }
0x40: {  	_ =	shalt  }
0x41: {  	_ =	shalt  }
0x42: {  	_ =	shalt  }
0x43: {  	_ =	shalt  }
0x44: {  	_ =	shalt  }
0x45: {  	_ =	shalt  }
0x46: {  	_ =	shalt  }
0x47: {  	_ =	shalt  }
0x48: {  	_ =	shalt  }
0x49: {  	_ =	shalt  }
0x4a: {  	_ =	shalt  }
0x4b: {  	_ =	shalt  }
0x4c: {  	_ =	shalt  }
0x4d: {  	_ =	shalt  }
0x4e: {  	_ =	shalt  }
0x4f: {  	_ =	shalt  }
0x50: {  	_ =	shalt  }
0x51: {  	_ =	shalt  }
0x52: {  	_ =	shalt  }
0x53: {  	_ =	shalt  }
0x54: {  	_ =	shalt  }
0x55: {  	_ =	shalt  }
0x56: {  	_ =	shalt  }
0x57: {  	_ =	shalt  }
0x58: {  	_ =	shalt  }
0x59: {  	_ =	shalt  }
0x5a: {  	_ =	shalt  }
0x5b: {  	_ =	shalt  }
0x5c: {  	_ =	shalt  }
0x5d: {  	_ =	shalt  }
0x5e: {  	_ =	shalt  }
0x5f: {  	_ =	shalt  }
0x60: {  	_ =	shalt  }
0x61: {  	_ =	shalt  }
0x62: {  	_ =	shalt  }
0x63: {  	_ =	shalt  }
0x64: {  	_ =	shalt  }
0x65: {  	_ =	shalt  }
0x66: {  	_ =	shalt  }
0x67: {  	_ =	shalt  }
0x68: {  	_ =	shalt  }
0x69: {  	_ =	shalt  }
0x6a: {  	_ =	shalt  }
0x6b: {  	_ =	shalt  }
0x6c: {  	_ =	shalt  }
0x6d: {  	_ =	shalt  }
0x6e: {  	_ =	shalt  }
0x6f: {  	_ =	shalt  }
0x70: {  	_ =	shalt  }
0x71: {  	_ =	shalt  }
0x72: {  	_ =	shalt  }
0x73: {  	_ =	shalt  }
0x74: {  	_ =	shalt  }
0x75: {  	_ =	shalt  }
0x76: {  	_ =	shalt  }
0x77: {  	_ =	shalt  }
0x78: {  	_ =	shalt  }
0x79: {  	_ =	shalt  }
0x7a: {  	_ =	shalt  }
0x7b: {  	_ =	shalt  }
0x7c: {  	_ =	shalt  }
0x7d: {  	_ =	shalt  }
0x7e: {  	_ =	shalt  }
0x7f: {  	_ =	shalt  }
0x80: {  	_ =	shalt  }
0x81: {  	_ =	shalt  }
0x82: {  	_ =	shalt  }
0x83: {  	_ =	shalt  }
0x84: {  	_ =	shalt  }
0x85: {  	_ =	shalt  }
0x86: {  	_ =	shalt  }
0x87: {  	_ =	shalt  }
.Lfunc_end0:
.L_simem_size_0:
called_computation_lowered:
.L_overlay_start_0:
0x88: {  	s2 =	sld [smem:$0x3FD9]  }
0x89: {  	s3 =	sld [smem:$0x3FFE];
	_ =	sdelay $0x1  }
0x8a: {  	s1 =	srdreg.scid  }
0x8b: {  	s0 =	sand.u32 $0x1, s1  }
0x8c: {  	s18 =	sshll.u32 s0, $0xA;
	s2 =	sadd.s32 s3, s2  }
0x8d: {  	s2 =	sadd.s32 s2, s18  }
0x8e: {  	[smem:$0x3FC6] =	sst s2  }
0x8f: {  	_ = 	snop  }
0x90: {  	s2 =	sld [smem:$0x3FC9]  }
0x91: {  	s19 =	sld [smem:$0x3FC8]  }
0x92: {  	s4 =	sld [smem:$0x3FD0];
	(tm) =	ssettm $0x1  }
0x93: {  	s5 =	sld [smem:$0x3FFB];
	_ =	sdelay $0x3  }
0x94: {  	_ =	strace s5  }
0x95: {  	s5 =	sld [smem:$0x3FFC];
	_ =	sdelay $0x3  }
0x96: {  	_ =	strace s5  }
0x97: {  	s5 =	sld [smem:$0x3FFD];
	_ =	sdelay $0x3  }
0x98: {  	_ =	strace s5  }
0x99: {  	_ =	strace $0x8FFFFFFF  }
0x9a: {  	s20 =	sld [smem:$0x3FDB];
	_ =	sdelay $0x1  }
0x9b: {  	s6 =	simm.s32 $_scs_section_size  }
0x9c: {  	s7 =	simm.s32 $_size__tile_overlayer_lowered;
	s8 =	simm.s32 $_tile_overlayer_lowered  }
0x9d: {  	s23 =	simm.s32 $0x1BFF;
	s22 =	sshll.u32 s8, $0x1;
	s5 =	sadd.s32 s6, s20  }
0x9e: {  	s9 =	simm.s32 $0x0;
	s21 =	sshll.u32 s7, $0x1;
	s7 =	sadd.s32 s22, s5  }
0x9f: {  	[timem:s9], [sflag:s23] =	dma.local [hbm:s7], s21  }
0xa0: {  	_ =	swait.ge [sflag:s23], s21  }
0xa1: {  	s6 =	ssub.s32 $0x0, s21;
	[sflag:s23] =	ssyncset.done $0x0  }
0xa2: {  	[sflag:s23] =	ssyncadd.s32 s6;
	_ =	sdelay $0x1  }
0xa3: {  	s24 =	simm.s32 $0x1B8B  }
0xa4: {  	_ =	swait.ge [sflag:s24], $0x1  }
0xa5: {  	[sflag:s24] =	ssyncset.done $0x0  }
0xa6: {  	s25 =	simm.s32 $0x1B8E;
	[sflag:s24] =	ssyncadd.s32 $0xFFFFFFFF  }
0xa7: {  	s26 =	simm.s32 $execute0_lowered;
	[smem:$0x3FD2] =	sst s25  }
0xa8: {  	s6 =	sshll.u32 s26, $0x1;
	_ =	strace $0x80000046;
	[dreg:$0x1] =	wrdreg $0xFFFFFFFF  }
0xa9: {  	s28 =	simm.s32 $_size_execute0_lowered;
	s5 =	sadd.s32 s5, s6;
	[dreg:$0x0] =	wrdreg $0x0  }
0xaa: {  	s6 =	sshll.u32 s28, $0x1;
	[dreg:$0x2] =	wrdreg s5  }
0xab: {  	[dreg:$0x3] =	wrdreg s6  }
0xac: {  	[dreg:$0x4] =	wrdreg $0xC0  }
0xad: {  	_ =	task [dreg:s9], $0x5FFFF  }
0xae: {  	[dreg:$0x1] =	wrdreg $0xFFFFFFFF  }
0xaf: {  	[dreg:$0x0] =	wrdreg $0x60  }
0xb0: {  	[dreg:$0x2] =	wrdreg s2  }
0xb1: {  	[dreg:$0x3] =	wrdreg s19  }
0xb2: {  	[dreg:$0x4] =	wrdreg s4  }
0xb3: {  	[dreg:$0x5] =	wrdreg $0x9  }
0xb4: {  	_ =	task.clear_ibuf [dreg:s9], $0x6FFFF;
	_ =	strace $0x90000046  }
0xb5: {  	s29 =	simm.s32 $0x9;
	_ =	strace $0x80000048  }
0xb6: {  	_ =	swait.ge [sflag:s29], $0x1  }
0xb7: {  	[sflag:s29] =	ssyncadd.s32 $0xFFFFFFFF  }
0xb8: {  	_ =	strace $0x90000048  }
0xb9: {  	_ =	sfence  }
0xba: {  	s30 =	sld [smem:$0x0];
	_ =	sdelay $0x2  }
0xbb: {  	s31 =	sshll.u32 s1, $0xD;
	s1 =	sshrl.u32 s1, $0x2  }
0xbc: {  	s3 =	sand.u32 $0x4000, s31;
	s1 =	sadd.s32 s1, s30  }
0xbd: {  	s0 =	sor.u32 s3, s0;
	s1 =	sshll.u32 s1, $0x11  }
0xbe: {  	s0 =	sor.u32 s1, s0  }
0xbf: {  	s0 =	sadd.s32 $0x8F2B, s0  }
0xc0: {  	[sflag:s0] =	ssyncadd.remote.s32 $0x1  }
0xc1: {  	_ =	sfence.sel $0xFFFF  }
0xc2: {  	[dreg:$0x0] =	wrdreg $0xFFFFFFFF;
	(pc) =	sbr.abs _section_cstart, $3  }
0xc3: {  	[dreg:$0x1] =	wrdreg $0xFFFFFFFF  }
0xc4: {  	_ =	task.clear_ibuf [dreg:s9], $0x2FFFF;
	_ =	strace $0x9FFFFFFF  }
0xc5: {  	(tm) =	ssettm $0x7FFFFFFF  }
tec
execute0_lowered:
.L_overlay_start_1:
0x0: {  	(tag) =	ssettag $0x1  }
0x1: {  	s0 =	rddreg [dreg:$0x0];
	s4 =	stileid.u32  }
0x2: {  	s1 =	rddreg [dreg:$0x1];
	s2 =	srdreg.scid  }
0x3: {  	s5 =	rddreg [dreg:$0x2];
	s25 =	simm.s32 $0x80;
	s26 =	simm.s32 $0x200  }
0x4: {  	s10 =	simm.s32 $0x1;
	s14 =	simm.s32 $0x1900;
	s15 =	simm.s32 $0x2100  }
0x5: {  	s16 =	simm.s32 $0x2900;
	s17 =	simm.s32 $0x3100;
	s18 =	simm.s32 $0x3900  }
0x6: {  	s19 =	simm.s32 $0x4100;
	s20 =	simm.s32 $0x4900;
	s21 =	simm.s32 $0x5100  }
0x7: {  	s28 =	simm.s32 $0x8100;
	s29 =	simm.s32 $0x8900;
	s30 =	simm.s32 $0x9100  }
0x8: {  	s31 =	simm.s32 $0x9900;
	s9 =	simm.s32 $0xB900;
	s3 =	sshll.u32 s4, $0x1  }
0x9: {  	s2 =	sand.u32 $0x1, s2;
	s4 =	sshrl.u32 s4, $0x2;
	s3 =	sand.u32 $0x6, s3  }
0xa: {  	s7 =	smul.u32 $0x180000, s4;
	s4 =	sshll.u32 s4, $0x4;
	s6 =	sor.u32 s2, s3  }
0xb: {  	s3 =	simm.s32 $0x0;
	s0 =	sadd.s32 s0, s4;
	s2 =	ssub.s32 $0x2, s2  }
0xc: {  	s4 =	simm.s32 $0x2;
	s8 =	smul.u32 $0x30000, s6;
	[smem:$0x7FF] =	sst s3  }
0xd: {  	s6 =	sshll.u32 s6, $0x7;
	s23 =	sshrl.u32 s2, $0x1;
	_ =	strace $0x80000047  }
0xe: {  	s0 =	sadd.s32 s6, s0;
	s2 =	ssub.s32 s2, s23;
	[dreg:$0x6] =	wrdreg s25  }
0xf: {  	s6 =	sadd.s32 $0x200, s1;
	[dreg:$0x7] =	wrdreg s26;
	s23 =	simm.s32 $0x6100  }
0x10: {  	s25 =	simm.s32 $0x7100;
	s26 =	simm.s32 $0x7900;
	s7 =	sadd.s32 s7, s8  }
0x11: {  	[dreg:$0x4] =	wrdreg s0;
	s8 =	simm.s32 $0xB100;
	s22 =	sshrl.u32 s7, $0x3  }
0x12: {  	v2 =	vlaneseq.u32;
	s7 =	smax.u32 s2, $0x1;
	s2 =	simm.s32 $0xA100;
	s5 =	sadd.s32 s5, s22  }
0x13: {  	vm0 =	vmmov $0xffff;
	v1 =	vshrl.u32 v2, $0x3;
	s22 =	simm.s32 $0x5900;
	[dreg:$0x8] =	wrdreg s5;
	s24 =	sadd.s32 $0x3000, s5  }
0x14: {  	v0 =	vand.u32 $0x7, v2;
	v2 =	vor.u32 $0x8, v2;
	v1 =	vmul.u32 $0x8, v1;
	s5 =	sadd.s32 $0x100, s1;
	[dreg:$0x5] =	wrdreg s24;
	s24 =	simm.s32 $0x6900  }
.LBB2_1:
0x15: {  	s11 =	rddreg [dreg:$0x4]  }
0x16: {  	s12 =	rddreg [dreg:$0x6]  }
0x17: {  	s13 =	rddreg [dreg:$0x7];
	s0 =	simm.s32 $0x3  }
0x18: {  	[tilespmem:s3], [sflag:$0x3] =	stream.strided.gather [hbm4b:s11+s12], $0x100, s13, s12, $0x38;
	[tilespmem:$0x18100] =	vst v63  }
0x19: {  	_ =	swait.ge [sflag:s0], $0x100  }
0x1a: {  	[sflag:s0] =	ssyncset.done $0x0  }
0x1b: {  	[sflag:s0] =	ssyncadd.s32 $0xFFFFFF00  }
0x1c: {  	v3 =	vld [tilespmem:$0x0];
	_ =	sdelay $0x4  }
0x1d: {  	v4 =	vshrl.u32 v3, $0x3  }
0x1e: {  	v4 =	vmul.u32 $0x30, v4  }
0x1f: {  	v3 =	vand.u32 $0x7, v3  }
0x20: {  	v3 =	vor.u32 v3, v4  }
0x21: {  	v4 =	vperm.xlane v3, v0;
	_ =	sdelay $0x1  }
0x22: {  	v4 =	vadd.s32 v1, v4;
	_ =	sdelay $0x3  }
0x23: {  	s13 =	simm.s32 $0x100;
	v3 =	vperm.xlane v3, v2  }
0x24: {  	[tilespmem:s13], [sflag:$0x1] =	stream.indirect_vreg.gather [hbm4b:s1+s3], $0x80, v4, vm0, $0xb8;
	[tilespmem:$0x18100] =	vst v63  }
0x25: {  	s12 =	simm.s32 $0x900;
	v3 =	vadd.s32 v1, v3  }
0x26: {  	[tilespmem:s12], [sflag:$0x1] =	stream.indirect_vreg.gather [hbm4b:s5+s3], $0x80, v4, vm0, $0xb8;
	[tilespmem:$0x18100] =	vst v63  }
0x27: {  	s13 =	simm.s32 $0x1100  }
0x28: {  	[tilespmem:s13], [sflag:$0x1] =	stream.indirect_vreg.gather [hbm4b:s6+s3], $0x80, v4, vm0, $0xb8;
	[tilespmem:$0x18100] =	vst v63  }
0x29: {  	_ = 	snop  }
0x2a: {  	[tilespmem:s14], [sflag:$0x1] =	stream.indirect_vreg.gather [hbm4b:s1+s3], $0x80, v3, vm0, $0xb8;
	[tilespmem:$0x18100] =	vst v63  }
0x2b: {  	_ = 	snop  }
0x2c: {  	[tilespmem:s15], [sflag:$0x1] =	stream.indirect_vreg.gather [hbm4b:s5+s3], $0x80, v3, vm0, $0xb8;
	[tilespmem:$0x18100] =	vst v63  }
0x2d: {  	_ = 	snop  }
0x2e: {  	[tilespmem:s16], [sflag:$0x1] =	stream.indirect_vreg.gather [hbm4b:s6+s3], $0x80, v3, vm0, $0xb8;
	[tilespmem:$0x18100] =	vst v63  }
0x2f: {  	v3 =	vld [tilespmem:$0x10];
	_ =	sdelay $0x4  }
0x30: {  	v49 =	vshrl.u32 v3, $0x3  }
0x31: {  	v4 =	vmul.u32 $0x30, v49  }
0x32: {  	v3 =	vand.u32 $0x7, v3  }
0x33: {  	v3 =	vor.u32 v3, v4  }
0x34: {  	v4 =	vperm.xlane v3, v0;
	_ =	sdelay $0x1  }
0x35: {  	v4 =	vadd.s32 v1, v4;
	_ =	sdelay $0x3  }
0x36: {  	v3 =	vperm.xlane v3, v2  }
0x37: {  	[tilespmem:s17], [sflag:$0x1] =	stream.indirect_vreg.gather [hbm4b:s1+s3], $0x80, v4, vm0, $0xb8;
	[tilespmem:$0x18100] =	vst v63  }
0x38: {  	v3 =	vadd.s32 v1, v3  }
0x39: {  	[tilespmem:s18], [sflag:$0x1] =	stream.indirect_vreg.gather [hbm4b:s5+s3], $0x80, v4, vm0, $0xb8;
	[tilespmem:$0x18100] =	vst v63  }
0x3a: {  	_ = 	snop  }
0x3b: {  	[tilespmem:s19], [sflag:$0x1] =	stream.indirect_vreg.gather [hbm4b:s6+s3], $0x80, v4, vm0, $0xb8;
	[tilespmem:$0x18100] =	vst v63  }
0x3c: {  	_ = 	snop  }
0x3d: {  	[tilespmem:s20], [sflag:$0x1] =	stream.indirect_vreg.gather [hbm4b:s1+s3], $0x80, v3, vm0, $0xb8;
	[tilespmem:$0x18100] =	vst v63  }
0x3e: {  	_ = 	snop  }
0x3f: {  	[tilespmem:s21], [sflag:$0x1] =	stream.indirect_vreg.gather [hbm4b:s5+s3], $0x80, v3, vm0, $0xb8;
	[tilespmem:$0x18100] =	vst v63  }
0x40: {  	_ = 	snop  }
0x41: {  	[tilespmem:s22], [sflag:$0x1] =	stream.indirect_vreg.gather [hbm4b:s6+s3], $0x80, v3, vm0, $0xb8;
	[tilespmem:$0x18100] =	vst v63  }
0x42: {  	v3 =	vld [tilespmem:$0x20];
	_ =	sdelay $0x4  }
0x43: {  	v50 =	vshrl.u32 v3, $0x3  }
0x44: {  	v4 =	vmul.u32 $0x30, v50  }
0x45: {  	v3 =	vand.u32 $0x7, v3  }
0x46: {  	v3 =	vor.u32 v3, v4  }
0x47: {  	v4 =	vperm.xlane v3, v0;
	_ =	sdelay $0x1  }
0x48: {  	v4 =	vadd.s32 v1, v4;
	_ =	sdelay $0x3  }
0x49: {  	v3 =	vperm.xlane v3, v2  }
0x4a: {  	[tilespmem:s23], [sflag:$0x1] =	stream.indirect_vreg.gather [hbm4b:s1+s3], $0x80, v4, vm0, $0xb8;
	[tilespmem:$0x18100] =	vst v63  }
0x4b: {  	v3 =	vadd.s32 v1, v3  }
0x4c: {  	[tilespmem:s24], [sflag:$0x1] =	stream.indirect_vreg.gather [hbm4b:s5+s3], $0x80, v4, vm0, $0xb8;
	[tilespmem:$0x18100] =	vst v63  }
0x4d: {  	_ = 	snop  }
0x4e: {  	[tilespmem:s25], [sflag:$0x1] =	stream.indirect_vreg.gather [hbm4b:s6+s3], $0x80, v4, vm0, $0xb8;
	[tilespmem:$0x18100] =	vst v63  }
0x4f: {  	_ = 	snop  }
0x50: {  	[tilespmem:s26], [sflag:$0x1] =	stream.indirect_vreg.gather [hbm4b:s1+s3], $0x80, v3, vm0, $0xb8;
	[tilespmem:$0x18100] =	vst v63  }
0x51: {  	_ = 	snop  }
0x52: {  	[tilespmem:s28], [sflag:$0x1] =	stream.indirect_vreg.gather [hbm4b:s5+s3], $0x80, v3, vm0, $0xb8;
	[tilespmem:$0x18100] =	vst v63  }
0x53: {  	_ = 	snop  }
0x54: {  	[tilespmem:s29], [sflag:$0x1] =	stream.indirect_vreg.gather [hbm4b:s6+s3], $0x80, v3, vm0, $0xb8;
	[tilespmem:$0x18100] =	vst v63  }
0x55: {  	v3 =	vld [tilespmem:$0x30];
	_ =	sdelay $0x4  }
0x56: {  	v51 =	vshrl.u32 v3, $0x3  }
0x57: {  	v4 =	vmul.u32 $0x30, v51  }
0x58: {  	v3 =	vand.u32 $0x7, v3  }
0x59: {  	v3 =	vor.u32 v3, v4  }
0x5a: {  	v4 =	vperm.xlane v3, v0;
	_ =	sdelay $0x1  }
0x5b: {  	v4 =	vadd.s32 v1, v4;
	_ =	sdelay $0x3  }
0x5c: {  	v3 =	vperm.xlane v3, v2  }
0x5d: {  	[tilespmem:s30], [sflag:$0x1] =	stream.indirect_vreg.gather [hbm4b:s1+s3], $0x80, v4, vm0, $0xb8;
	[tilespmem:$0x18100] =	vst v63  }
0x5e: {  	v3 =	vadd.s32 v1, v3  }
0x5f: {  	[tilespmem:s31], [sflag:$0x1] =	stream.indirect_vreg.gather [hbm4b:s5+s3], $0x80, v4, vm0, $0xb8;
	[tilespmem:$0x18100] =	vst v63  }
0x60: {  	_ = 	snop  }
0x61: {  	[tilespmem:s2], [sflag:$0x1] =	stream.indirect_vreg.gather [hbm4b:s6+s3], $0x80, v4, vm0, $0xb8;
	[tilespmem:$0x18100] =	vst v63  }
0x62: {  	s11 =	simm.s32 $0xA900  }
0x63: {  	[tilespmem:s11], [sflag:$0x1] =	stream.indirect_vreg.gather [hbm4b:s1+s3], $0x80, v3, vm0, $0xb8;
	[tilespmem:$0x18100] =	vst v63  }
0x64: {  	_ = 	snop  }
0x65: {  	[tilespmem:s8], [sflag:$0x1] =	stream.indirect_vreg.gather [hbm4b:s5+s3], $0x80, v3, vm0, $0xb8;
	[tilespmem:$0x18100] =	vst v63  }
0x66: {  	_ = 	snop  }
0x67: {  	[tilespmem:s9], [sflag:$0x1] =	stream.indirect_vreg.gather [hbm4b:s6+s3], $0x80, v3, vm0, $0xb8;
	[tilespmem:$0x18100] =	vst v63  }
0x68: {  	v3 =	vld [tilespmem:$0x40];
	_ =	sdelay $0x4  }
0x69: {  	v52 =	vshrl.u32 v3, $0x3  }
0x6a: {  	v4 =	vmul.u32 $0x30, v52  }
0x6b: {  	v3 =	vand.u32 $0x7, v3  }
0x6c: {  	v3 =	vor.u32 v3, v4  }
0x6d: {  	v4 =	vperm.xlane v3, v0;
	_ =	sdelay $0x1  }
0x6e: {  	v4 =	vadd.s32 v1, v4;
	_ =	sdelay $0x3  }
0x6f: {  	s11 =	simm.s32 $0xC100;
	v3 =	vperm.xlane v3, v2  }
0x70: {  	[tilespmem:s11], [sflag:$0x1] =	stream.indirect_vreg.gather [hbm4b:s1+s3], $0x80, v4, vm0, $0xb8;
	[tilespmem:$0x18100] =	vst v63  }
0x71: {  	v3 =	vadd.s32 v1, v3;
	s11 =	simm.s32 $0xC900  }
0x72: {  	[tilespmem:s11], [sflag:$0x1] =	stream.indirect_vreg.gather [hbm4b:s5+s3], $0x80, v4, vm0, $0xb8;
	[tilespmem:$0x18100] =	vst v63  }
0x73: {  	s11 =	simm.s32 $0xD100  }
0x74: {  	[tilespmem:s11], [sflag:$0x1] =	stream.indirect_vreg.gather [hbm4b:s6+s3], $0x80, v4, vm0, $0xb8;
	[tilespmem:$0x18100] =	vst v63  }
0x75: {  	s11 =	simm.s32 $0xD900  }
0x76: {  	[tilespmem:s11], [sflag:$0x1] =	stream.indirect_vreg.gather [hbm4b:s1+s3], $0x80, v3, vm0, $0xb8;
	[tilespmem:$0x18100] =	vst v63  }
0x77: {  	s11 =	simm.s32 $0xE100  }
0x78: {  	[tilespmem:s11], [sflag:$0x1] =	stream.indirect_vreg.gather [hbm4b:s5+s3], $0x80, v3, vm0, $0xb8;
	[tilespmem:$0x18100] =	vst v63  }
0x79: {  	s11 =	simm.s32 $0xE900  }
0x7a: {  	[tilespmem:s11], [sflag:$0x1] =	stream.indirect_vreg.gather [hbm4b:s6+s3], $0x80, v3, vm0, $0xb8;
	[tilespmem:$0x18100] =	vst v63  }
0x7b: {  	v3 =	vld [tilespmem:$0x50];
	_ =	sdelay $0x4  }
0x7c: {  	v53 =	vshrl.u32 v3, $0x3  }
0x7d: {  	v4 =	vmul.u32 $0x30, v53  }
0x7e: {  	v3 =	vand.u32 $0x7, v3  }
0x7f: {  	v3 =	vor.u32 v3, v4  }
0x80: {  	v4 =	vperm.xlane v3, v0;
	_ =	sdelay $0x1  }
0x81: {  	v4 =	vadd.s32 v1, v4;
	_ =	sdelay $0x3  }
0x82: {  	s11 =	simm.s32 $0xF100;
	v3 =	vperm.xlane v3, v2  }
0x83: {  	[tilespmem:s11], [sflag:$0x1] =	stream.indirect_vreg.gather [hbm4b:s1+s3], $0x80, v4, vm0, $0xb8;
	[tilespmem:$0x18100] =	vst v63  }
0x84: {  	v3 =	vadd.s32 v1, v3;
	s11 =	simm.s32 $0xF900  }
0x85: {  	[tilespmem:s11], [sflag:$0x1] =	stream.indirect_vreg.gather [hbm4b:s5+s3], $0x80, v4, vm0, $0xb8;
	[tilespmem:$0x18100] =	vst v63  }
0x86: {  	s11 =	simm.s32 $0x10100  }
0x87: {  	[tilespmem:s11], [sflag:$0x1] =	stream.indirect_vreg.gather [hbm4b:s6+s3], $0x80, v4, vm0, $0xb8;
	[tilespmem:$0x18100] =	vst v63  }
0x88: {  	s11 =	simm.s32 $0x10900  }
0x89: {  	[tilespmem:s11], [sflag:$0x1] =	stream.indirect_vreg.gather [hbm4b:s1+s3], $0x80, v3, vm0, $0xb8;
	[tilespmem:$0x18100] =	vst v63  }
0x8a: {  	s11 =	simm.s32 $0x11100  }
0x8b: {  	[tilespmem:s11], [sflag:$0x1] =	stream.indirect_vreg.gather [hbm4b:s5+s3], $0x80, v3, vm0, $0xb8;
	[tilespmem:$0x18100] =	vst v63  }
0x8c: {  	s11 =	simm.s32 $0x11900  }
0x8d: {  	[tilespmem:s11], [sflag:$0x1] =	stream.indirect_vreg.gather [hbm4b:s6+s3], $0x80, v3, vm0, $0xb8;
	[tilespmem:$0x18100] =	vst v63  }
0x8e: {  	v3 =	vld [tilespmem:$0x60];
	_ =	sdelay $0x4  }
0x8f: {  	v54 =	vshrl.u32 v3, $0x3  }
0x90: {  	v4 =	vmul.u32 $0x30, v54  }
0x91: {  	v3 =	vand.u32 $0x7, v3  }
0x92: {  	v3 =	vor.u32 v3, v4  }
0x93: {  	v4 =	vperm.xlane v3, v0;
	_ =	sdelay $0x1  }
0x94: {  	v4 =	vadd.s32 v1, v4;
	_ =	sdelay $0x3  }
0x95: {  	s11 =	simm.s32 $0x12100;
	v3 =	vperm.xlane v3, v2  }
0x96: {  	[tilespmem:s11], [sflag:$0x1] =	stream.indirect_vreg.gather [hbm4b:s1+s3], $0x80, v4, vm0, $0xb8;
	[tilespmem:$0x18100] =	vst v63  }
0x97: {  	v3 =	vadd.s32 v1, v3;
	s11 =	simm.s32 $0x12900  }
0x98: {  	[tilespmem:s11], [sflag:$0x1] =	stream.indirect_vreg.gather [hbm4b:s5+s3], $0x80, v4, vm0, $0xb8;
	[tilespmem:$0x18100] =	vst v63  }
0x99: {  	s11 =	simm.s32 $0x13100  }
0x9a: {  	[tilespmem:s11], [sflag:$0x1] =	stream.indirect_vreg.gather [hbm4b:s6+s3], $0x80, v4, vm0, $0xb8;
	[tilespmem:$0x18100] =	vst v63  }
0x9b: {  	s11 =	simm.s32 $0x13900  }
0x9c: {  	[tilespmem:s11], [sflag:$0x1] =	stream.indirect_vreg.gather [hbm4b:s1+s3], $0x80, v3, vm0, $0xb8;
	[tilespmem:$0x18100] =	vst v63  }
0x9d: {  	s11 =	simm.s32 $0x14100  }
0x9e: {  	[tilespmem:s11], [sflag:$0x1] =	stream.indirect_vreg.gather [hbm4b:s5+s3], $0x80, v3, vm0, $0xb8;
	[tilespmem:$0x18100] =	vst v63  }
0x9f: {  	s11 =	simm.s32 $0x14900  }
0xa0: {  	[tilespmem:s11], [sflag:$0x1] =	stream.indirect_vreg.gather [hbm4b:s6+s3], $0x80, v3, vm0, $0xb8;
	[tilespmem:$0x18100] =	vst v63  }
0xa1: {  	v3 =	vld [tilespmem:$0x70];
	_ =	sdelay $0x4  }
0xa2: {  	v55 =	vshrl.u32 v3, $0x3  }
0xa3: {  	v4 =	vmul.u32 $0x30, v55  }
0xa4: {  	v3 =	vand.u32 $0x7, v3  }
0xa5: {  	v3 =	vor.u32 v3, v4  }
0xa6: {  	v4 =	vperm.xlane v3, v0;
	_ =	sdelay $0x1  }
0xa7: {  	v4 =	vadd.s32 v1, v4;
	_ =	sdelay $0x3  }
0xa8: {  	s11 =	simm.s32 $0x15100;
	v3 =	vperm.xlane v3, v2  }
0xa9: {  	[tilespmem:s11], [sflag:$0x1] =	stream.indirect_vreg.gather [hbm4b:s1+s3], $0x80, v4, vm0, $0xb8;
	[tilespmem:$0x18100] =	vst v63  }
0xaa: {  	v3 =	vadd.s32 v1, v3;
	s11 =	simm.s32 $0x15900  }
0xab: {  	[tilespmem:s11], [sflag:$0x1] =	stream.indirect_vreg.gather [hbm4b:s5+s3], $0x80, v4, vm0, $0xb8;
	[tilespmem:$0x18100] =	vst v63  }
0xac: {  	s11 =	simm.s32 $0x16100  }
0xad: {  	[tilespmem:s11], [sflag:$0x1] =	stream.indirect_vreg.gather [hbm4b:s6+s3], $0x80, v4, vm0, $0xb8;
	[tilespmem:$0x18100] =	vst v63  }
0xae: {  	s11 =	simm.s32 $0x16900  }
0xaf: {  	[tilespmem:s11], [sflag:$0x1] =	stream.indirect_vreg.gather [hbm4b:s1+s3], $0x80, v3, vm0, $0xb8;
	[tilespmem:$0x18100] =	vst v63  }
0xb0: {  	s11 =	simm.s32 $0x17100  }
0xb1: {  	[tilespmem:s11], [sflag:$0x1] =	stream.indirect_vreg.gather [hbm4b:s5+s3], $0x80, v3, vm0, $0xb8;
	[tilespmem:$0x18100] =	vst v63  }
0xb2: {  	s11 =	simm.s32 $0x17900  }
0xb3: {  	[tilespmem:s11], [sflag:$0x1] =	stream.indirect_vreg.gather [hbm4b:s6+s3], $0x80, v3, vm0, $0xb8;
	[tilespmem:$0x18100] =	vst v63  }
0xb4: {  	_ =	swait.ge [sflag:s10], $0x18000  }
0xb5: {  	[sflag:s10] =	ssyncset.done $0x0  }
0xb6: {  	s0 =	simm.s32 $0x100;
	s11 =	rddreg [dreg:$0x8];
	[sflag:s10] =	ssyncadd.s32 $0xFFFE8000  }
0xb7: {  	[hbm4b:s11+s3] =	stream.linear.scatter [tilespmem:s0], [sflag:$0x2], $0x18000, $0x38;
	[tilespmem:$0x18100] =	vst v63  }
0xb8: {  	_ =	swait.ge [sflag:s4], $0x18000  }
0xb9: {  	[sflag:s4] =	ssyncset.done $0x0  }
0xba: {  	[sflag:s4] =	ssyncadd.s32 $0xFFFE8000  }
0xbb: {  	v3 =	vld [tilespmem:$0x80];
	_ =	sdelay $0x4  }
0xbc: {  	v56 =	vshrl.u32 v3, $0x3  }
0xbd: {  	v4 =	vmul.u32 $0x30, v56  }
0xbe: {  	v3 =	vand.u32 $0x7, v3  }
0xbf: {  	v3 =	vor.u32 v3, v4  }
0xc0: {  	v4 =	vperm.xlane v3, v0;
	_ =	sdelay $0x1  }
0xc1: {  	v4 =	vadd.s32 v1, v4;
	_ =	sdelay $0x3  }
0xc2: {  	v3 =	vperm.xlane v3, v2  }
0xc3: {  	[tilespmem:s0], [sflag:$0x1] =	stream.indirect_vreg.gather [hbm4b:s1+s3], $0x80, v4, vm0, $0xb8;
	[tilespmem:$0x18100] =	vst v63  }
0xc4: {  	v3 =	vadd.s32 v1, v3  }
0xc5: {  	[tilespmem:s12], [sflag:$0x1] =	stream.indirect_vreg.gather [hbm4b:s5+s3], $0x80, v4, vm0, $0xb8;
	[tilespmem:$0x18100] =	vst v63  }
0xc6: {  	_ = 	snop  }
0xc7: {  	[tilespmem:s13], [sflag:$0x1] =	stream.indirect_vreg.gather [hbm4b:s6+s3], $0x80, v4, vm0, $0xb8;
	[tilespmem:$0x18100] =	vst v63  }
0xc8: {  	_ = 	snop  }
0xc9: {  	[tilespmem:s14], [sflag:$0x1] =	stream.indirect_vreg.gather [hbm4b:s1+s3], $0x80, v3, vm0, $0xb8;
	[tilespmem:$0x18100] =	vst v63  }
0xca: {  	_ = 	snop  }
0xcb: {  	[tilespmem:s15], [sflag:$0x1] =	stream.indirect_vreg.gather [hbm4b:s5+s3], $0x80, v3, vm0, $0xb8;
	[tilespmem:$0x18100] =	vst v63  }
0xcc: {  	_ = 	snop  }
0xcd: {  	[tilespmem:s16], [sflag:$0x1] =	stream.indirect_vreg.gather [hbm4b:s6+s3], $0x80, v3, vm0, $0xb8;
	[tilespmem:$0x18100] =	vst v63  }
0xce: {  	v3 =	vld [tilespmem:$0x90];
	_ =	sdelay $0x4  }
0xcf: {  	v57 =	vshrl.u32 v3, $0x3  }
0xd0: {  	v4 =	vmul.u32 $0x30, v57  }
0xd1: {  	v3 =	vand.u32 $0x7, v3  }
0xd2: {  	v3 =	vor.u32 v3, v4  }
0xd3: {  	v4 =	vperm.xlane v3, v0;
	_ =	sdelay $0x1  }
0xd4: {  	v4 =	vadd.s32 v1, v4;
	_ =	sdelay $0x3  }
0xd5: {  	v3 =	vperm.xlane v3, v2  }
0xd6: {  	[tilespmem:s17], [sflag:$0x1] =	stream.indirect_vreg.gather [hbm4b:s1+s3], $0x80, v4, vm0, $0xb8;
	[tilespmem:$0x18100] =	vst v63  }
0xd7: {  	v3 =	vadd.s32 v1, v3  }
0xd8: {  	[tilespmem:s18], [sflag:$0x1] =	stream.indirect_vreg.gather [hbm4b:s5+s3], $0x80, v4, vm0, $0xb8;
	[tilespmem:$0x18100] =	vst v63  }
0xd9: {  	_ = 	snop  }
0xda: {  	[tilespmem:s19], [sflag:$0x1] =	stream.indirect_vreg.gather [hbm4b:s6+s3], $0x80, v4, vm0, $0xb8;
	[tilespmem:$0x18100] =	vst v63  }
0xdb: {  	_ = 	snop  }
0xdc: {  	[tilespmem:s20], [sflag:$0x1] =	stream.indirect_vreg.gather [hbm4b:s1+s3], $0x80, v3, vm0, $0xb8;
	[tilespmem:$0x18100] =	vst v63  }
0xdd: {  	_ = 	snop  }
0xde: {  	[tilespmem:s21], [sflag:$0x1] =	stream.indirect_vreg.gather [hbm4b:s5+s3], $0x80, v3, vm0, $0xb8;
	[tilespmem:$0x18100] =	vst v63  }
0xdf: {  	_ = 	snop  }
0xe0: {  	[tilespmem:s22], [sflag:$0x1] =	stream.indirect_vreg.gather [hbm4b:s6+s3], $0x80, v3, vm0, $0xb8;
	[tilespmem:$0x18100] =	vst v63  }
0xe1: {  	v3 =	vld [tilespmem:$0xA0];
	_ =	sdelay $0x4  }
0xe2: {  	v58 =	vshrl.u32 v3, $0x3  }
0xe3: {  	v4 =	vmul.u32 $0x30, v58  }
0xe4: {  	v3 =	vand.u32 $0x7, v3  }
0xe5: {  	v3 =	vor.u32 v3, v4  }
0xe6: {  	v4 =	vperm.xlane v3, v0;
	_ =	sdelay $0x1  }
0xe7: {  	v4 =	vadd.s32 v1, v4;
	_ =	sdelay $0x3  }
0xe8: {  	v3 =	vperm.xlane v3, v2  }
0xe9: {  	[tilespmem:s23], [sflag:$0x1] =	stream.indirect_vreg.gather [hbm4b:s1+s3], $0x80, v4, vm0, $0xb8;
	[tilespmem:$0x18100] =	vst v63  }
0xea: {  	v3 =	vadd.s32 v1, v3  }
0xeb: {  	[tilespmem:s24], [sflag:$0x1] =	stream.indirect_vreg.gather [hbm4b:s5+s3], $0x80, v4, vm0, $0xb8;
	[tilespmem:$0x18100] =	vst v63  }
0xec: {  	_ = 	snop  }
0xed: {  	[tilespmem:s25], [sflag:$0x1] =	stream.indirect_vreg.gather [hbm4b:s6+s3], $0x80, v4, vm0, $0xb8;
	[tilespmem:$0x18100] =	vst v63  }
0xee: {  	_ = 	snop  }
0xef: {  	[tilespmem:s26], [sflag:$0x1] =	stream.indirect_vreg.gather [hbm4b:s1+s3], $0x80, v3, vm0, $0xb8;
	[tilespmem:$0x18100] =	vst v63  }
0xf0: {  	_ = 	snop  }
0xf1: {  	[tilespmem:s28], [sflag:$0x1] =	stream.indirect_vreg.gather [hbm4b:s5+s3], $0x80, v3, vm0, $0xb8;
	[tilespmem:$0x18100] =	vst v63  }
0xf2: {  	_ = 	snop  }
0xf3: {  	[tilespmem:s29], [sflag:$0x1] =	stream.indirect_vreg.gather [hbm4b:s6+s3], $0x80, v3, vm0, $0xb8;
	[tilespmem:$0x18100] =	vst v63  }
0xf4: {  	v3 =	vld [tilespmem:$0xB0];
	_ =	sdelay $0x4  }
0xf5: {  	v59 =	vshrl.u32 v3, $0x3  }
0xf6: {  	v4 =	vmul.u32 $0x30, v59  }
0xf7: {  	v3 =	vand.u32 $0x7, v3  }
0xf8: {  	v3 =	vor.u32 v3, v4  }
0xf9: {  	v4 =	vperm.xlane v3, v0;
	_ =	sdelay $0x1  }
0xfa: {  	v4 =	vadd.s32 v1, v4;
	_ =	sdelay $0x3  }
0xfb: {  	v3 =	vperm.xlane v3, v2  }
0xfc: {  	[tilespmem:s30], [sflag:$0x1] =	stream.indirect_vreg.gather [hbm4b:s1+s3], $0x80, v4, vm0, $0xb8;
	[tilespmem:$0x18100] =	vst v63  }
0xfd: {  	v3 =	vadd.s32 v1, v3  }
0xfe: {  	[tilespmem:s31], [sflag:$0x1] =	stream.indirect_vreg.gather [hbm4b:s5+s3], $0x80, v4, vm0, $0xb8;
	[tilespmem:$0x18100] =	vst v63  }
0xff: {  	_ = 	snop  }
0x100: {  	[tilespmem:s2], [sflag:$0x1] =	stream.indirect_vreg.gather [hbm4b:s6+s3], $0x80, v4, vm0, $0xb8;
	[tilespmem:$0x18100] =	vst v63  }
0x101: {  	s11 =	simm.s32 $0xA900  }
0x102: {  	[tilespmem:s11], [sflag:$0x1] =	stream.indirect_vreg.gather [hbm4b:s1+s3], $0x80, v3, vm0, $0xb8;
	[tilespmem:$0x18100] =	vst v63  }
0x103: {  	_ = 	snop  }
0x104: {  	[tilespmem:s8], [sflag:$0x1] =	stream.indirect_vreg.gather [hbm4b:s5+s3], $0x80, v3, vm0, $0xb8;
	[tilespmem:$0x18100] =	vst v63  }
0x105: {  	_ = 	snop  }
0x106: {  	[tilespmem:s9], [sflag:$0x1] =	stream.indirect_vreg.gather [hbm4b:s6+s3], $0x80, v3, vm0, $0xb8;
	[tilespmem:$0x18100] =	vst v63  }
0x107: {  	v3 =	vld [tilespmem:$0xC0];
	_ =	sdelay $0x4  }
0x108: {  	v60 =	vshrl.u32 v3, $0x3  }
0x109: {  	v4 =	vmul.u32 $0x30, v60  }
0x10a: {  	v3 =	vand.u32 $0x7, v3  }
0x10b: {  	v3 =	vor.u32 v3, v4  }
0x10c: {  	v4 =	vperm.xlane v3, v0;
	_ =	sdelay $0x1  }
0x10d: {  	v4 =	vadd.s32 v1, v4;
	_ =	sdelay $0x3  }
0x10e: {  	s12 =	simm.s32 $0xC100;
	v3 =	vperm.xlane v3, v2  }
0x10f: {  	[tilespmem:s12], [sflag:$0x1] =	stream.indirect_vreg.gather [hbm4b:s1+s3], $0x80, v4, vm0, $0xb8;
	[tilespmem:$0x18100] =	vst v63  }
0x110: {  	s13 =	simm.s32 $0xC900;
	v3 =	vadd.s32 v1, v3  }
0x111: {  	[tilespmem:s13], [sflag:$0x1] =	stream.indirect_vreg.gather [hbm4b:s5+s3], $0x80, v4, vm0, $0xb8;
	[tilespmem:$0x18100] =	vst v63  }
0x112: {  	s11 =	simm.s32 $0xD100  }
0x113: {  	[tilespmem:s11], [sflag:$0x1] =	stream.indirect_vreg.gather [hbm4b:s6+s3], $0x80, v4, vm0, $0xb8;
	[tilespmem:$0x18100] =	vst v63  }
0x114: {  	s12 =	simm.s32 $0xD900  }
0x115: {  	[tilespmem:s12], [sflag:$0x1] =	stream.indirect_vreg.gather [hbm4b:s1+s3], $0x80, v3, vm0, $0xb8;
	[tilespmem:$0x18100] =	vst v63  }
0x116: {  	s13 =	simm.s32 $0xE100  }
0x117: {  	[tilespmem:s13], [sflag:$0x1] =	stream.indirect_vreg.gather [hbm4b:s5+s3], $0x80, v3, vm0, $0xb8;
	[tilespmem:$0x18100] =	vst v63  }
0x118: {  	s11 =	simm.s32 $0xE900  }
0x119: {  	[tilespmem:s11], [sflag:$0x1] =	stream.indirect_vreg.gather [hbm4b:s6+s3], $0x80, v3, vm0, $0xb8;
	[tilespmem:$0x18100] =	vst v63  }
0x11a: {  	v3 =	vld [tilespmem:$0xD0];
	_ =	sdelay $0x4  }
0x11b: {  	v61 =	vshrl.u32 v3, $0x3  }
0x11c: {  	v4 =	vmul.u32 $0x30, v61  }
0x11d: {  	v3 =	vand.u32 $0x7, v3  }
0x11e: {  	v3 =	vor.u32 v3, v4  }
0x11f: {  	v4 =	vperm.xlane v3, v0;
	_ =	sdelay $0x1  }
0x120: {  	v4 =	vadd.s32 v1, v4;
	_ =	sdelay $0x3  }
0x121: {  	s12 =	simm.s32 $0xF100;
	v3 =	vperm.xlane v3, v2  }
0x122: {  	[tilespmem:s12], [sflag:$0x1] =	stream.indirect_vreg.gather [hbm4b:s1+s3], $0x80, v4, vm0, $0xb8;
	[tilespmem:$0x18100] =	vst v63  }
0x123: {  	s13 =	simm.s32 $0xF900;
	v3 =	vadd.s32 v1, v3  }
0x124: {  	[tilespmem:s13], [sflag:$0x1] =	stream.indirect_vreg.gather [hbm4b:s5+s3], $0x80, v4, vm0, $0xb8;
	[tilespmem:$0x18100] =	vst v63  }
0x125: {  	s11 =	simm.s32 $0x10100  }
0x126: {  	[tilespmem:s11], [sflag:$0x1] =	stream.indirect_vreg.gather [hbm4b:s6+s3], $0x80, v4, vm0, $0xb8;
	[tilespmem:$0x18100] =	vst v63  }
0x127: {  	s12 =	simm.s32 $0x10900  }
0x128: {  	[tilespmem:s12], [sflag:$0x1] =	stream.indirect_vreg.gather [hbm4b:s1+s3], $0x80, v3, vm0, $0xb8;
	[tilespmem:$0x18100] =	vst v63  }
0x129: {  	s13 =	simm.s32 $0x11100  }
0x12a: {  	[tilespmem:s13], [sflag:$0x1] =	stream.indirect_vreg.gather [hbm4b:s5+s3], $0x80, v3, vm0, $0xb8;
	[tilespmem:$0x18100] =	vst v63  }
0x12b: {  	s11 =	simm.s32 $0x11900  }
0x12c: {  	[tilespmem:s11], [sflag:$0x1] =	stream.indirect_vreg.gather [hbm4b:s6+s3], $0x80, v3, vm0, $0xb8;
	[tilespmem:$0x18100] =	vst v63  }
0x12d: {  	v3 =	vld [tilespmem:$0xE0];
	_ =	sdelay $0x4  }
0x12e: {  	v62 =	vshrl.u32 v3, $0x3  }
0x12f: {  	v4 =	vmul.u32 $0x30, v62  }
0x130: {  	v3 =	vand.u32 $0x7, v3  }
0x131: {  	v3 =	vor.u32 v3, v4  }
0x132: {  	v4 =	vperm.xlane v3, v0;
	_ =	sdelay $0x1  }
0x133: {  	v4 =	vadd.s32 v1, v4;
	_ =	sdelay $0x3  }
0x134: {  	s12 =	simm.s32 $0x12100;
	v3 =	vperm.xlane v3, v2  }
0x135: {  	[tilespmem:s12], [sflag:$0x1] =	stream.indirect_vreg.gather [hbm4b:s1+s3], $0x80, v4, vm0, $0xb8;
	[tilespmem:$0x18100] =	vst v63  }
0x136: {  	s13 =	simm.s32 $0x12900;
	v3 =	vadd.s32 v1, v3  }
0x137: {  	[tilespmem:s13], [sflag:$0x1] =	stream.indirect_vreg.gather [hbm4b:s5+s3], $0x80, v4, vm0, $0xb8;
	[tilespmem:$0x18100] =	vst v63  }
0x138: {  	s11 =	simm.s32 $0x13100  }
0x139: {  	[tilespmem:s11], [sflag:$0x1] =	stream.indirect_vreg.gather [hbm4b:s6+s3], $0x80, v4, vm0, $0xb8;
	[tilespmem:$0x18100] =	vst v63  }
0x13a: {  	s12 =	simm.s32 $0x13900  }
0x13b: {  	[tilespmem:s12], [sflag:$0x1] =	stream.indirect_vreg.gather [hbm4b:s1+s3], $0x80, v3, vm0, $0xb8;
	[tilespmem:$0x18100] =	vst v63  }
0x13c: {  	s13 =	simm.s32 $0x14100  }
0x13d: {  	[tilespmem:s13], [sflag:$0x1] =	stream.indirect_vreg.gather [hbm4b:s5+s3], $0x80, v3, vm0, $0xb8;
	[tilespmem:$0x18100] =	vst v63  }
0x13e: {  	s11 =	simm.s32 $0x14900  }
0x13f: {  	[tilespmem:s11], [sflag:$0x1] =	stream.indirect_vreg.gather [hbm4b:s6+s3], $0x80, v3, vm0, $0xb8;
	[tilespmem:$0x18100] =	vst v63  }
0x140: {  	v3 =	vld [tilespmem:$0xF0];
	_ =	sdelay $0x4  }
0x141: {  	v63 =	vshrl.u32 v3, $0x3  }
0x142: {  	v4 =	vmul.u32 $0x30, v63  }
0x143: {  	v3 =	vand.u32 $0x7, v3  }
0x144: {  	v3 =	vor.u32 v3, v4  }
0x145: {  	v4 =	vperm.xlane v3, v0;
	_ =	sdelay $0x1  }
0x146: {  	v4 =	vadd.s32 v1, v4;
	_ =	sdelay $0x3  }
0x147: {  	s12 =	simm.s32 $0x15100;
	v3 =	vperm.xlane v3, v2  }
0x148: {  	[tilespmem:s12], [sflag:$0x1] =	stream.indirect_vreg.gather [hbm4b:s1+s3], $0x80, v4, vm0, $0xb8;
	[tilespmem:$0x18100] =	vst v63  }
0x149: {  	s13 =	simm.s32 $0x15900;
	v3 =	vadd.s32 v1, v3  }
0x14a: {  	[tilespmem:s13], [sflag:$0x1] =	stream.indirect_vreg.gather [hbm4b:s5+s3], $0x80, v4, vm0, $0xb8;
	[tilespmem:$0x18100] =	vst v63  }
0x14b: {  	s11 =	simm.s32 $0x16100  }
0x14c: {  	[tilespmem:s11], [sflag:$0x1] =	stream.indirect_vreg.gather [hbm4b:s6+s3], $0x80, v4, vm0, $0xb8;
	[tilespmem:$0x18100] =	vst v63  }
0x14d: {  	s12 =	simm.s32 $0x16900  }
0x14e: {  	[tilespmem:s12], [sflag:$0x1] =	stream.indirect_vreg.gather [hbm4b:s1+s3], $0x80, v3, vm0, $0xb8;
	[tilespmem:$0x18100] =	vst v63  }
0x14f: {  	s13 =	simm.s32 $0x17100  }
0x150: {  	[tilespmem:s13], [sflag:$0x1] =	stream.indirect_vreg.gather [hbm4b:s5+s3], $0x80, v3, vm0, $0xb8;
	[tilespmem:$0x18100] =	vst v63  }
0x151: {  	s11 =	simm.s32 $0x17900  }
0x152: {  	[tilespmem:s11], [sflag:$0x1] =	stream.indirect_vreg.gather [hbm4b:s6+s3], $0x80, v3, vm0, $0xb8;
	[tilespmem:$0x18100] =	vst v63  }
0x153: {  	_ =	swait.ge [sflag:s10], $0x18000  }
0x154: {  	p0 =	sne.s32 s7, $0x1;
	s13 =	simm.s32 $0x100;
	[sflag:s10] =	ssyncset.done $0x0  }
.Ltmp0:
0x155: {  	s12 =	rddreg [dreg:$0x5];
	[sflag:s10] =	ssyncadd.s32 $0xFFFE8000;
	(pc) =	sbr.rel @p0 .LBB2_1-.Ltmp0, $4  }
0x156: {  	[hbm4b:s12+s3] =	stream.linear.scatter [tilespmem:s13], [sflag:$0x2], $0x18000, $0x38;
	[tilespmem:$0x18100] =	vst v63  }
0x157: {  	_ =	swait.ge [sflag:s4], $0x18000  }
0x158: {  	[sflag:s4] =	ssyncset.done $0x0  }
0x159: {  	s7 =	sadd.s32 $0xFFFFFFFF, s7;
	[sflag:s4] =	ssyncadd.s32 $0xFFFE8000  }
0x15a: {  	_ =	sfence.sel $0x180000  }
0x15b: {  	[bflag:$0x0] =	sbarrier.arrive $0xFFFF  }
0x15c: {  	_ =	strace $0x90000047  }
0x15d: {  	s0 =	stileid.u32;
	[bflag:$0x2] =	sbarrier.arrive $0xFFFF  }
0x15e: {  	p0 =	sne.s32 s0, $0x0;
	s0 =	rddreg [dreg:$0x3]  }
0x15f: {  	s0 =	sadd.s32 @!p0 $0x100000, s0  }
0x160: {  	[sflag:s0] =	ssyncadd.tile.s32 @!p0 $0x1;
	_ =	shalt  }
.Lfunc_end2:
_tile_overlayer_lowered:
.L_overlay_start_2:
0x161: {  	(tag) =	ssettag $0x2  }
0x162: {  	s0 =	rddreg [dreg:$0x0];
	s2 =	stileid.u32  }
0x163: {  	s1 =	rddreg [dreg:$0x1];
	p0 =	sne.s32 s2, $0x0  }
0x164: {  	s3 =	rddreg [dreg:$0x2];
	[bflag:$0x3] =	sbarrier.arrive $0xFFFF;
	s2 =	simm.s32 @!p0 $0x1C03  }
0x165: {  	[timem:s3], [sflag:s2] =	dma.local @!p0 [hbm:s0], s1  }
0x166: {  	s0 =	simm.s32 @!p0 $0x3  }
0x167: {  	_ =	swait.ge @!p0 [sflag:s0], s1  }
0x168: {  	s1 =	ssub.s32 @!p0 $0x0, s1;
	[sflag:s0] =	ssyncset.done @!p0 $0x0  }
0x169: {  	[sflag:s0] =	ssyncadd.s32 @!p0 s1  }
0x16a: {  	[bflag:$0x3] =	sbarrier.arrive $0xFFFF  }
0x16b: {  	_ =	shalt  }

</sc_bundles>
